<compile_context>
chip_gen: v7x
topology: tpu7x:2x2x1
jax: 0.10.2.dev20260603
libtpu: 0.0.44.dev20260713+nightly
codegen_flags: <defaults>
</compile_context>

<pallas_src>
import jax
import jax.numpy as jnp
from jax.experimental import pallas as pl

_EPS = 1e-5


def _conv2d(x, w, b, stride, padding):
    out = jax.lax.conv_general_dilated(
        x, w, (stride, stride), ((padding, padding), (padding, padding)),
        dimension_numbers=('NCHW', 'OIHW', 'NCHW'))
    return out + b[None, :, None, None]


def _conv_transpose2d(x, w, b, stride, padding):
    k = jnp.transpose(w, (1, 0, 2, 3))[:, :, ::-1, ::-1]
    pad = w.shape[2] - 1 - padding
    out = jax.lax.conv_general_dilated(
        x, k, (1, 1), ((pad, pad), (pad, pad)), lhs_dilation=(stride, stride),
        dimension_numbers=('NCHW', 'OIHW', 'NCHW'))
    return out + b[None, :, None, None]


def _bn_relu(x, gamma, beta):
    mean = jnp.mean(x, axis=(0, 2, 3), keepdims=True)
    var = jnp.mean((x - mean) ** 2, axis=(0, 2, 3), keepdims=True)
    xn = (x - mean) / jnp.sqrt(var + _EPS)
    return jax.nn.relu(xn * gamma[None, :, None, None] + beta[None, :, None, None])


def _vq_kernel(c2_ref, scale_ref, shift_ref, wpre_ref, bpre_ref, emb_ref,
               wpost_ref, bpost_ref, out_ref, loss_ref):
    h = c2_ref[0]
    h = jnp.maximum(h * scale_ref[...] + shift_ref[...], 0.0)
    q = jnp.dot(wpre_ref[...], h,
                preferred_element_type=jnp.float32) + bpre_ref[...]
    emb = emb_ref[...]
    cross = jnp.dot(emb, q, preferred_element_type=jnp.float32)
    qsq = jnp.sum(q * q, axis=0, keepdims=True)
    esq = jnp.sum(emb * emb, axis=1, keepdims=True)
    d2 = qsq - 2.0 * cross + esq
    dist = jnp.sqrt(jnp.maximum(d2, 0.0))
    d0, d1, d2_ = dist[0:1, :], dist[1:2, :], dist[2:3, :]
    c1 = d1 < d0
    b01 = jnp.where(c1, d1, d0)
    c2sel = d2_ < b01
    sel2 = c2sel
    sel1 = jnp.logical_and(jnp.logical_not(c2sel), c1)
    sel0 = jnp.logical_and(jnp.logical_not(c2sel), jnp.logical_not(c1))
    onehot = jnp.concatenate(
        [sel0.astype(jnp.float32), sel1.astype(jnp.float32),
         sel2.astype(jnp.float32)], axis=0)
    zq = jnp.dot(emb.T, onehot, preferred_element_type=jnp.float32)
    loss_ref[...] = jnp.sum((zq - q) ** 2)[None, None, None]
    out = jnp.dot(wpost_ref[...], zq,
                  preferred_element_type=jnp.float32) + bpost_ref[...]
    out_ref[0] = out


def kernel(x, enc1_w, enc1_b, bn1_g, bn1_b, enc2_w, enc2_b, bn2_g, bn2_b,
           pre_w, pre_b, emb, post_w, post_b, dec1_w, dec1_b, bn3_g, bn3_b,
           dec2_w, dec2_b):
    h1 = _bn_relu(_conv2d(x, enc1_w, enc1_b, 2, 1), bn1_g, bn1_b)
    c2 = _conv2d(h1, enc2_w, enc2_b, 2, 2 // 2)
    bs, cc, hh, ww = c2.shape
    P = hh * ww

    mean = jnp.mean(c2, axis=(0, 2, 3))
    var = jnp.mean((c2 - mean[None, :, None, None]) ** 2, axis=(0, 2, 3))
    scale = (bn2_g / jnp.sqrt(var + _EPS))[:, None]
    shift = (bn2_b - mean * scale[:, 0])[:, None]

    c2r = c2.reshape(bs, cc, P)
    wpre = pre_w.reshape(2, cc)
    bpre = pre_b[:, None]
    wpost = post_w.reshape(cc, 2)
    bpost = post_b[:, None]

    small = lambda shp: pl.BlockSpec(shp, lambda b: (0, 0))
    di_r, loss_parts = pl.pallas_call(
        _vq_kernel,
        grid=(bs,),
        in_specs=[
            pl.BlockSpec((1, cc, P), lambda b: (b, 0, 0)),
            small((cc, 1)), small((cc, 1)),
            small((2, cc)), small((2, 1)),
            small((3, 2)),
            small((cc, 2)), small((cc, 1)),
        ],
        out_specs=[
            pl.BlockSpec((1, cc, P), lambda b: (b, 0, 0)),
            pl.BlockSpec((1, 1, 1), lambda b: (b, 0, 0)),
        ],
        out_shape=[
            jax.ShapeDtypeStruct((bs, cc, P), jnp.float32),
            jax.ShapeDtypeStruct((bs, 1, 1), jnp.float32),
        ],
    )(c2r, scale, shift, wpre, bpre, emb, wpost, bpost)

    loss = jnp.sum(loss_parts) * 1.25 / (bs * 2 * P)
    di = di_r.reshape(bs, cc, hh, ww)

    h3 = _bn_relu(_conv_transpose2d(di, dec1_w, dec1_b, 2, 1), bn3_g, bn3_b)
    decoded = jax.nn.sigmoid(_conv_transpose2d(h3, dec2_w, dec2_b, 2, 1))
    return (decoded, loss)

# --- scband reference (transcript-rebuilt; emitter-appended) ---
"""Pipeline reference for scband-vqvae-63848983822995 (READ-ONLY COPY).

The authoritative reference and input builder live on the scoring server;
editing this copy changes nothing except your own understanding.
"""

import jax, jax.numpy as jnp
import numpy as np


def conv2d(x, w, b, stride, padding):
    out = jax.lax.conv_general_dilated(
        x, w, (stride, stride), ((padding, padding), (padding, padding)),
        dimension_numbers=('NCHW', 'OIHW', 'NCHW'))
    return out + b[None, :, None, None]


def conv_transpose2d(x, w, b, stride, padding):
    # w in PyTorch ConvTranspose2d layout [C_in, C_out, kh, kw]
    k = jnp.transpose(w, (1, 0, 2, 3))[:, :, ::-1, ::-1]
    pad = w.shape[2] - 1 - padding
    out = jax.lax.conv_general_dilated(
        x, k, (1, 1), ((pad, pad), (pad, pad)), lhs_dilation=(stride, stride),
        dimension_numbers=('NCHW', 'OIHW', 'NCHW'))
    return out + b[None, :, None, None]


def batchnorm_train(x, gamma, beta, eps=1e-5):
    mean = jnp.mean(x, axis=(0, 2, 3), keepdims=True)
    var = jnp.mean((x - mean) ** 2, axis=(0, 2, 3), keepdims=True)
    xn = (x - mean) / jnp.sqrt(var + eps)
    return xn * gamma[None, :, None, None] + beta[None, :, None, None]


def setup_inputs(seed: int = 0) -> dict:
    key = jax.random.key(seed)
    ks = jax.random.split(key, 8)

    def init(k, shape, fan_in):
        return jax.random.normal(k, shape, jnp.float32) * np.float32(1.0 / np.sqrt(fan_in))

    x = jax.random.uniform(ks[0], (32, 1, 512, 512), dtype=jnp.float32)
    return {
        'x': x,
        'enc1_w': init(ks[1], (16, 1, 4, 4), 1 * 16), 'enc1_b': jnp.zeros((16,), jnp.float32),
        'bn1_g': jnp.ones((16,), jnp.float32), 'bn1_b': jnp.zeros((16,), jnp.float32),
        'enc2_w': init(ks[2], (4, 16, 4, 4), 16 * 16), 'enc2_b': jnp.zeros((4,), jnp.float32),
        'bn2_g': jnp.ones((4,), jnp.float32), 'bn2_b': jnp.zeros((4,), jnp.float32),
        'pre_w': init(ks[3], (2, 4, 1, 1), 4), 'pre_b': jnp.zeros((2,), jnp.float32),
        'emb': jax.random.normal(ks[4], (3, 2), jnp.float32),
        'post_w': init(ks[5], (4, 2, 1, 1), 2), 'post_b': jnp.zeros((4,), jnp.float32),
        'dec1_w': init(ks[6], (4, 16, 4, 4), 4 * 16), 'dec1_b': jnp.zeros((16,), jnp.float32),
        'bn3_g': jnp.ones((16,), jnp.float32), 'bn3_b': jnp.zeros((16,), jnp.float32),
        'dec2_w': init(ks[7], (16, 1, 4, 4), 16 * 16), 'dec2_b': jnp.zeros((1,), jnp.float32),
    }


def reference(x, enc1_w, enc1_b, bn1_g, bn1_b, enc2_w, enc2_b, bn2_g, bn2_b,
              pre_w, pre_b, emb, post_w, post_b, dec1_w, dec1_b, bn3_g, bn3_b,
              dec2_w, dec2_b):
    h1 = jax.nn.relu(batchnorm_train(conv2d(x, enc1_w, enc1_b, 2, 1), bn1_g, bn1_b))
    h2 = jax.nn.relu(batchnorm_train(conv2d(h1, enc2_w, enc2_b, 2, 1), bn2_g, bn2_b))
    q = conv2d(h2, pre_w, pre_b, 1, 0)
    bs, c, hh, ww = q.shape
    qi = jnp.transpose(q, (0, 2, 3, 1)).reshape(bs, hh * ww, c)
    d2 = (jnp.sum(qi ** 2, -1, keepdims=True)
          - 2.0 * jnp.einsum('bnc,kc->bnk', qi, emb)
          + jnp.sum(emb ** 2, -1)[None, None, :])
    dist = jnp.sqrt(jnp.maximum(d2, 0.0))
    idx = jnp.argmin(dist, axis=-1)
    zq = jnp.take(emb, idx, axis=0)
    zq = jnp.transpose(zq.reshape(bs, hh, ww, c), (0, 3, 1, 2))
    qi4 = jnp.transpose(qi.reshape(bs, hh, ww, c), (0, 3, 1, 2))
    commit_loss = jnp.mean((jax.lax.stop_gradient(zq) - qi4) ** 2)
    codebook_loss = jnp.mean((zq - jax.lax.stop_gradient(qi4)) ** 2)
    loss = codebook_loss + 0.25 * commit_loss
    zq_st = qi4 + jax.lax.stop_gradient(zq - qi4)
    di = conv2d(zq_st, post_w, post_b, 1, 0)
    h3 = jax.nn.relu(batchnorm_train(conv_transpose2d(di, dec1_w, dec1_b, 2, 1), bn3_g, bn3_b))
    decoded = jax.nn.sigmoid(conv_transpose2d(h3, dec2_w, dec2_b, 2, 1))
    return (decoded, loss)

if __name__ == "__main__":
    import jax
    _d = setup_inputs()
    print(jax.jit(kernel)(*tuple(_d.values())))

</pallas_src>

<mosaic_0001>
module attributes {stable_mosaic.version = 14 : i64} {
  func.func @_vq_kernel(%arg0: i32, %arg1: memref<1x4x16384xf32, #tpu.memory_space<vmem>>, %arg2: memref<4x1xf32, #tpu.memory_space<vmem>>, %arg3: memref<4x1xf32, #tpu.memory_space<vmem>>, %arg4: memref<2x4xf32, #tpu.memory_space<vmem>>, %arg5: memref<2x1xf32, #tpu.memory_space<vmem>>, %arg6: memref<3x2xf32, #tpu.memory_space<vmem>>, %arg7: memref<4x2xf32, #tpu.memory_space<vmem>>, %arg8: memref<4x1xf32, #tpu.memory_space<vmem>>, %arg9: memref<1x4x16384xf32, #tpu.memory_space<vmem>>, %arg10: memref<1x1x1xf32, #tpu.memory_space<vmem>>) attributes {dimension_semantics = [#tpu.dimension_semantics<arbitrary>], iteration_bounds = array<i64: 32>, scalar_prefetch = 0 : i64, scratch_operands = 0 : i64, tpu.core_type = #tpu.core_type<tc>, window_params = [{transform_indices = @transform_0, window_bounds = array<i64: 1, 4, 16384>}, {pipeline_mode = #tpu.pipeline_mode<synchronous>, transform_indices = @transform_1, window_bounds = array<i64: 4, 1>}, {pipeline_mode = #tpu.pipeline_mode<synchronous>, transform_indices = @transform_2, window_bounds = array<i64: 4, 1>}, {pipeline_mode = #tpu.pipeline_mode<synchronous>, transform_indices = @transform_3, window_bounds = array<i64: 2, 4>}, {pipeline_mode = #tpu.pipeline_mode<synchronous>, transform_indices = @transform_4, window_bounds = array<i64: 2, 1>}, {pipeline_mode = #tpu.pipeline_mode<synchronous>, transform_indices = @transform_5, window_bounds = array<i64: 3, 2>}, {pipeline_mode = #tpu.pipeline_mode<synchronous>, transform_indices = @transform_6, window_bounds = array<i64: 4, 2>}, {pipeline_mode = #tpu.pipeline_mode<synchronous>, transform_indices = @transform_7, window_bounds = array<i64: 4, 1>}, {transform_indices = @transform_8, window_bounds = array<i64: 1, 4, 16384>}, {transform_indices = @transform_9, window_bounds = array<i64: 1, 1, 1>}]} {
    %get3A = arith.constant 0 : index
    %get3A_0 = arith.constant 0 : index
    %get3A_1 = arith.constant 0 : index
    %get3A_2 = vector.load %arg1[%get3A, %get3A_0, %get3A_1] : memref<1x4x16384xf32, #tpu.memory_space<vmem>>, vector<1x4x16384xf32>
    %get3A_3 = vector.shape_cast %get3A_2 : vector<1x4x16384xf32> to vector<4x16384xf32>
    %get3A_4 = arith.constant 0 : index
    %get3A_5 = arith.constant 0 : index
    %get3A_6 = vector.load %arg2[%get3A_4, %get3A_5] : memref<4x1xf32, #tpu.memory_space<vmem>>, vector<4x1xf32>
    %mul3A = vector.broadcast %get3A_6 : vector<4x1xf32> to vector<4x16384xf32>
    %mul3A_7 = arith.mulf %get3A_3, %mul3A : vector<4x16384xf32>
    %get3A_8 = arith.constant 0 : index
    %get3A_9 = arith.constant 0 : index
    %get3A_10 = vector.load %arg3[%get3A_8, %get3A_9] : memref<4x1xf32, #tpu.memory_space<vmem>>, vector<4x1xf32>
    %add3A = vector.broadcast %get3A_10 : vector<4x1xf32> to vector<4x16384xf32>
    %add3A_11 = arith.addf %mul3A_7, %add3A : vector<4x16384xf32>
    %max3A = arith.constant 0.000000e+00 : f32
    %max3A_12 = vector.broadcast %max3A : f32 to vector<4x16384xf32>
    %max3A_13 = arith.maximumf %add3A_11, %max3A_12 : vector<4x16384xf32>
    %get3A_14 = arith.constant 0 : index
    %get3A_15 = arith.constant 0 : index
    %get3A_16 = vector.load %arg4[%get3A_14, %get3A_15] : memref<2x4xf32, #tpu.memory_space<vmem>>, vector<2x4xf32>
    %dot_general3A = arith.constant dense<0.000000e+00> : vector<2x16384xf32>
    %dot_general3A_17 = tpu.matmul %get3A_16, %max3A_13, %dot_general3A {dimension_numbers = #tpu.dot_dimension_numbers<[1], [0], [0], [1], [0, 0, 1, 1], [], []>, transpose_lhs_hint = false} : vector<2x4xf32>, vector<4x16384xf32>, vector<2x16384xf32> -> vector<2x16384xf32>
    %get3A_18 = arith.constant 0 : index
    %get3A_19 = arith.constant 0 : index
    %get3A_20 = vector.load %arg5[%get3A_18, %get3A_19] : memref<2x1xf32, #tpu.memory_space<vmem>>, vector<2x1xf32>
    %add3A_21 = vector.broadcast %get3A_20 : vector<2x1xf32> to vector<2x16384xf32>
    %add3A_22 = arith.addf %dot_general3A_17, %add3A_21 : vector<2x16384xf32>
    %get3A_23 = arith.constant 0 : index
    %get3A_24 = arith.constant 0 : index
    %get3A_25 = vector.load %arg6[%get3A_23, %get3A_24] : memref<3x2xf32, #tpu.memory_space<vmem>>, vector<3x2xf32>
    %dot_general3A_26 = arith.constant dense<0.000000e+00> : vector<3x16384xf32>
    %dot_general3A_27 = tpu.matmul %get3A_25, %add3A_22, %dot_general3A_26 {dimension_numbers = #tpu.dot_dimension_numbers<[1], [0], [0], [1], [0, 0, 1, 1], [], []>, transpose_lhs_hint = false} : vector<3x2xf32>, vector<2x16384xf32>, vector<3x16384xf32> -> vector<3x16384xf32>
    %mul3A_28 = arith.mulf %add3A_22, %add3A_22 : vector<2x16384xf32>
    %reduce_sum3A = arith.constant dense<0.000000e+00> : vector<16384xf32>
    %reduce_sum3A_29 = vector.multi_reduction <add>, %mul3A_28, %reduce_sum3A [0] : vector<2x16384xf32> to vector<16384xf32>
    %broadcast_in_dim3A = vector.shape_cast %reduce_sum3A_29 : vector<16384xf32> to vector<1x16384xf32>
    %mul3A_30 = arith.mulf %get3A_25, %get3A_25 : vector<3x2xf32>
    %reduce_sum3A_31 = arith.constant dense<0.000000e+00> : vector<3xf32>
    %reduce_sum3A_32 = vector.multi_reduction <add>, %mul3A_30, %reduce_sum3A_31 [1] : vector<3x2xf32> to vector<3xf32>
    %broadcast_in_dim3A_33 = vector.shape_cast %reduce_sum3A_32 : vector<3xf32> to vector<3x1xf32>
    %mul3A_34 = arith.constant 2.000000e+00 : f32
    %mul3A_35 = vector.broadcast %mul3A_34 : f32 to vector<3x16384xf32>
    %mul3A_36 = arith.mulf %mul3A_35, %dot_general3A_27 : vector<3x16384xf32>
    %sub3A = vector.broadcast %broadcast_in_dim3A : vector<1x16384xf32> to vector<3x16384xf32>
    %sub3A_37 = arith.subf %sub3A, %mul3A_36 : vector<3x16384xf32>
    %add3A_38 = vector.broadcast %broadcast_in_dim3A_33 : vector<3x1xf32> to vector<3x16384xf32>
    %add3A_39 = arith.addf %sub3A_37, %add3A_38 : vector<3x16384xf32>
    %max3A_40 = arith.constant 0.000000e+00 : f32
    %max3A_41 = vector.broadcast %max3A_40 : f32 to vector<3x16384xf32>
    %max3A_42 = arith.maximumf %add3A_39, %max3A_41 : vector<3x16384xf32>
    %sqrt3A = math.sqrt %max3A_42 : vector<3x16384xf32>
    %slice3A = vector.extract_strided_slice %sqrt3A {offsets = [0, 0], sizes = [1, 16384], strides = [1, 1]} : vector<3x16384xf32> to vector<1x16384xf32>
    %slice3A_43 = vector.extract_strided_slice %sqrt3A {offsets = [1, 0], sizes = [1, 16384], strides = [1, 1]} : vector<3x16384xf32> to vector<1x16384xf32>
    %slice3A_44 = vector.extract_strided_slice %sqrt3A {offsets = [2, 0], sizes = [1, 16384], strides = [1, 1]} : vector<3x16384xf32> to vector<1x16384xf32>
    %lt3A = arith.cmpf olt, %slice3A_43, %slice3A : vector<1x16384xf32>
    %select_n3A = arith.select %lt3A, %slice3A_43, %slice3A : vector<1x16384xi1>, vector<1x16384xf32>
    %lt3A_45 = arith.cmpf olt, %slice3A_44, %select_n3A : vector<1x16384xf32>
    %not3A = arith.constant dense<true> : vector<1x16384xi1>
    %not3A_46 = arith.xori %lt3A_45, %not3A : vector<1x16384xi1>
    %and3A = arith.andi %not3A_46, %lt3A : vector<1x16384xi1>
    %not3A_47 = arith.constant dense<true> : vector<1x16384xi1>
    %not3A_48 = arith.xori %lt3A_45, %not3A_47 : vector<1x16384xi1>
    %not3A_49 = arith.constant dense<true> : vector<1x16384xi1>
    %not3A_50 = arith.xori %lt3A, %not3A_49 : vector<1x16384xi1>
    %and3A_51 = arith.andi %not3A_48, %not3A_50 : vector<1x16384xi1>
    %convert_element_type3A = arith.extui %and3A_51 : vector<1x16384xi1> to vector<1x16384xi32>
    %convert_element_type3A_52 = arith.sitofp %convert_element_type3A : vector<1x16384xi32> to vector<1x16384xf32>
    %convert_element_type3A_53 = arith.extui %and3A : vector<1x16384xi1> to vector<1x16384xi32>
    %convert_element_type3A_54 = arith.sitofp %convert_element_type3A_53 : vector<1x16384xi32> to vector<1x16384xf32>
    %convert_element_type3A_55 = arith.extui %lt3A_45 : vector<1x16384xi1> to vector<1x16384xi32>
    %convert_element_type3A_56 = arith.sitofp %convert_element_type3A_55 : vector<1x16384xi32> to vector<1x16384xf32>
    %concatenate3A = tpu.concatenate %convert_element_type3A_52, %convert_element_type3A_54, %convert_element_type3A_56 in 0 : vector<1x16384xf32>, vector<1x16384xf32>, vector<1x16384xf32> -> vector<3x16384xf32>
    %transpose3A = tpu.transpose %get3A_25, [1, 0] : vector<3x2xf32> -> vector<2x3xf32>
    %dot_general3A_57 = arith.constant dense<0.000000e+00> : vector<2x16384xf32>
    %dot_general3A_58 = tpu.matmul %transpose3A, %concatenate3A, %dot_general3A_57 {dimension_numbers = #tpu.dot_dimension_numbers<[1], [0], [0], [1], [0, 0, 1, 1], [], []>, transpose_lhs_hint = false} : vector<2x3xf32>, vector<3x16384xf32>, vector<2x16384xf32> -> vector<2x16384xf32>
    %sub3A_59 = arith.subf %dot_general3A_58, %add3A_22 : vector<2x16384xf32>
    %integer_pow3A = arith.mulf %sub3A_59, %sub3A_59 : vector<2x16384xf32>
    %reduce_sum3A_60 = vector.shape_cast %integer_pow3A : vector<2x16384xf32> to vector<1x2x16384xf32>
    %reduce_sum3A_61 = arith.constant dense<0.000000e+00> : vector<1xf32>
    %reduce_sum3A_62 = vector.multi_reduction <add>, %reduce_sum3A_60, %reduce_sum3A_61 [1, 2] : vector<1x2x16384xf32> to vector<1xf32>
    %reduce_sum3A_63 = vector.shape_cast %reduce_sum3A_62 : vector<1xf32> to vector<1x1x1xf32>
    %reduce_sum3A_64 = vector.extract %reduce_sum3A_63[0, 0, 0] : f32 from vector<1x1x1xf32>
    %broadcast_in_dim3A_65 = vector.broadcast %reduce_sum3A_64 : f32 to vector<1x1x1xf32>
    %swap3A = arith.constant 0 : index
    %swap3A_66 = arith.constant 0 : index
    %swap3A_67 = arith.constant 0 : index
    %swap3A_68 = vector.load %arg10[%swap3A, %swap3A_66, %swap3A_67] : memref<1x1x1xf32, #tpu.memory_space<vmem>>, vector<1x1x1xf32>
    tpu.vector_store %arg10[%swap3A, %swap3A_66, %swap3A_67], %broadcast_in_dim3A_65 {strides = array<i32>} : memref<1x1x1xf32, #tpu.memory_space<vmem>>, vector<1x1x1xf32>,
    %get3A_69 = arith.constant 0 : index
    %get3A_70 = arith.constant 0 : index
    %get3A_71 = vector.load %arg7[%get3A_69, %get3A_70] : memref<4x2xf32, #tpu.memory_space<vmem>>, vector<4x2xf32>
    %dot_general3A_72 = arith.constant dense<0.000000e+00> : vector<4x16384xf32>
    %dot_general3A_73 = tpu.matmul %get3A_71, %dot_general3A_58, %dot_general3A_72 {dimension_numbers = #tpu.dot_dimension_numbers<[1], [0], [0], [1], [0, 0, 1, 1], [], []>, transpose_lhs_hint = false} : vector<4x2xf32>, vector<2x16384xf32>, vector<4x16384xf32> -> vector<4x16384xf32>
    %get3A_74 = arith.constant 0 : index
    %get3A_75 = arith.constant 0 : index
    %get3A_76 = vector.load %arg8[%get3A_74, %get3A_75] : memref<4x1xf32, #tpu.memory_space<vmem>>, vector<4x1xf32>
    %add3A_77 = vector.broadcast %get3A_76 : vector<4x1xf32> to vector<4x16384xf32>
    %add3A_78 = arith.addf %dot_general3A_73, %add3A_77 : vector<4x16384xf32>
    %swap3A_79 = arith.constant 0 : index
    %swap3A_80 = arith.constant 0 : index
    %swap3A_81 = arith.constant 0 : index
    %swap3A_82 = vector.load %arg9[%swap3A_79, %swap3A_80, %swap3A_81] : memref<1x4x16384xf32, #tpu.memory_space<vmem>>, vector<1x4x16384xf32>
    %swap3A_83 = vector.shape_cast %swap3A_82 : vector<1x4x16384xf32> to vector<4x16384xf32>
    %swap3A_84 = vector.shape_cast %add3A_78 : vector<4x16384xf32> to vector<1x4x16384xf32>
    tpu.vector_store %arg9[%swap3A_79, %swap3A_80, %swap3A_81], %swap3A_84 {strides = array<i32>} : memref<1x4x16384xf32, #tpu.memory_space<vmem>>, vector<1x4x16384xf32>,
    return
  }
  func.func @transform_0(%arg0: i32) -> (i32, i32, i32) {
    %c0_i32 = arith.constant 0 : i32
    %c0_i32_0 = arith.constant 0 : i32
    %c0_i32_1 = arith.constant 0 : i32
    return %arg0, %c0_i32, %c0_i32_0 : i32, i32, i32
  }
  func.func @transform_1(%arg0: i32) -> (i32, i32) {
    %c0_i32 = arith.constant 0 : i32
    %c0_i32_0 = arith.constant 0 : i32
    %c0_i32_1 = arith.constant 0 : i32
    return %c0_i32, %c0_i32_0 : i32, i32
  }
  func.func @transform_2(%arg0: i32) -> (i32, i32) {
    %c0_i32 = arith.constant 0 : i32
    %c0_i32_0 = arith.constant 0 : i32
    %c0_i32_1 = arith.constant 0 : i32
    return %c0_i32, %c0_i32_0 : i32, i32
  }
  func.func @transform_3(%arg0: i32) -> (i32, i32) {
    %c0_i32 = arith.constant 0 : i32
    %c0_i32_0 = arith.constant 0 : i32
    %c0_i32_1 = arith.constant 0 : i32
    return %c0_i32, %c0_i32_0 : i32, i32
  }
  func.func @transform_4(%arg0: i32) -> (i32, i32) {
    %c0_i32 = arith.constant 0 : i32
    %c0_i32_0 = arith.constant 0 : i32
    %c0_i32_1 = arith.constant 0 : i32
    return %c0_i32, %c0_i32_0 : i32, i32
  }
  func.func @transform_5(%arg0: i32) -> (i32, i32) {
    %c0_i32 = arith.constant 0 : i32
    %c0_i32_0 = arith.constant 0 : i32
    %c0_i32_1 = arith.constant 0 : i32
    return %c0_i32, %c0_i32_0 : i32, i32
  }
  func.func @transform_6(%arg0: i32) -> (i32, i32) {
    %c0_i32 = arith.constant 0 : i32
    %c0_i32_0 = arith.constant 0 : i32
    %c0_i32_1 = arith.constant 0 : i32
    return %c0_i32, %c0_i32_0 : i32, i32
  }
  func.func @transform_7(%arg0: i32) -> (i32, i32) {
    %c0_i32 = arith.constant 0 : i32
    %c0_i32_0 = arith.constant 0 : i32
    %c0_i32_1 = arith.constant 0 : i32
    return %c0_i32, %c0_i32_0 : i32, i32
  }
  func.func @transform_8(%arg0: i32) -> (i32, i32, i32) {
    %c0_i32 = arith.constant 0 : i32
    %c0_i32_0 = arith.constant 0 : i32
    %c0_i32_1 = arith.constant 0 : i32
    return %arg0, %c0_i32, %c0_i32_0 : i32, i32, i32
  }
  func.func @transform_9(%arg0: i32) -> (i32, i32, i32) {
    %c0_i32 = arith.constant 0 : i32
    %c0_i32_0 = arith.constant 0 : i32
    %c0_i32_1 = arith.constant 0 : i32
    return %arg0, %c0_i32, %c0_i32_0 : i32, i32, i32
  }
}

</mosaic_0001>

<sc_bundles>
// kernel: sparse-core-data-format-call.cloned.1.call-start
scs
called_computation_lowered:
.L_overlay_start_0:
0x0: {  	s2 =	sld [smem:$0x3FD9]  }
0x1: {  	s3 =	sld [smem:$0x3FFE];
	_ =	sdelay $0x1  }
0x2: {  	s1 =	srdreg.scid  }
0x3: {  	s0 =	sand.u32 $0x1, s1  }
0x4: {  	s15 =	sshll.u32 s0, $0xA;
	s2 =	sadd.s32 s3, s2  }
0x5: {  	s2 =	sadd.s32 s2, s15  }
0x6: {  	[smem:$0x3FB4] =	sst s2  }
0x7: {  	_ = 	snop  }
0x8: {  	s2 =	sld [smem:$0x3FD0];
	_ =	sdelay $0x2  }
0x9: {  	s16 =	simm.s32 $0xA;
	s4 =	simm.s32 $0x10  }
0xa: {  	[smem:s4], [sflag:s16] =	dma.local [hbm:s2], $0x1  }
0xb: {  	_ =	swait.eq [sflag:s16], $0x1  }
0xc: {  	[sflag:s16] =	ssyncset.done $0x0  }
0xd: {  	[sflag:s16] =	ssyncadd.s32 $0xFFFFFFFF  }
0xe: {  	s17 =	sld [smem:$0x10];
	(tm) =	ssettm $0x1  }
0xf: {  	s18 =	sld [smem:$0x3FFB];
	_ =	sdelay $0x3  }
0x10: {  	_ =	strace s18  }
0x11: {  	s3 =	sld [smem:$0x3FFC];
	_ =	sdelay $0x3  }
0x12: {  	_ =	strace s3  }
0x13: {  	s3 =	sld [smem:$0x3FFD];
	_ =	sdelay $0x3  }
0x14: {  	_ =	strace s3  }
0x15: {  	_ =	strace $0x8FFFFFFF  }
0x16: {  	s19 =	sld [smem:$0x3FDB];
	_ =	sdelay $0x1  }
0x17: {  	s20 =	simm.s32 $_scs_section_size  }
0x18: {  	s5 =	simm.s32 $_size__tile_overlayer_lowered;
	s6 =	simm.s32 $_tile_overlayer_lowered  }
0x19: {  	s23 =	simm.s32 $0x1BFF;
	s22 =	sshll.u32 s6, $0x1;
	s3 =	sadd.s32 s20, s19  }
0x1a: {  	s7 =	simm.s32 $0x0;
	s21 =	sshll.u32 s5, $0x1;
	s5 =	sadd.s32 s22, s3  }
0x1b: {  	[timem:s7], [sflag:s23] =	dma.local [hbm:s5], s21  }
0x1c: {  	_ =	swait.ge [sflag:s23], s21  }
0x1d: {  	s4 =	ssub.s32 $0x0, s21;
	[sflag:s23] =	ssyncset.done $0x0  }
0x1e: {  	[sflag:s23] =	ssyncadd.s32 s4;
	_ =	sdelay $0x1  }
0x1f: {  	s24 =	simm.s32 $0x1B8B  }
0x20: {  	_ =	swait.ge [sflag:s24], $0x1  }
0x21: {  	[sflag:s24] =	ssyncset.done $0x0  }
0x22: {  	s26 =	simm.s32 $0x1B8E;
	s25 =	sld [smem:$0x3FFE];
	[sflag:s24] =	ssyncadd.s32 $0xFFFFFFFF  }
0x23: {  	s27 =	simm.s32 $execute0_lowered;
	[smem:$0x3FD2] =	sst s26  }
0x24: {  	s5 =	sshll.u32 s27, $0x1;
	_ =	strace $0x80000046;
	[dreg:$0x1] =	wrdreg $0xFFFFFFFF  }
0x25: {  	s28 =	simm.s32 $_size_execute0_lowered;
	s3 =	sadd.s32 s3, s5;
	[dreg:$0x0] =	wrdreg $0x0  }
0x26: {  	s5 =	sshll.u32 s28, $0x1;
	[dreg:$0x2] =	wrdreg s3  }
0x27: {  	[dreg:$0x3] =	wrdreg s5  }
0x28: {  	[dreg:$0x4] =	wrdreg $0xC0  }
0x29: {  	_ =	task [dreg:s7], $0x5FFFF  }
0x2a: {  	[dreg:$0x1] =	wrdreg $0xFFFFFFFF  }
0x2b: {  	[dreg:$0x0] =	wrdreg $0x60  }
0x2c: {  	[dreg:$0x2] =	wrdreg s25  }
0x2d: {  	[dreg:$0x3] =	wrdreg s17  }
0x2e: {  	[dreg:$0x4] =	wrdreg $0x9  }
0x2f: {  	_ =	task.clear_ibuf [dreg:s7], $0x5FFFF;
	_ =	strace $0x90000046  }
0x30: {  	s29 =	simm.s32 $0x9;
	_ =	strace $0x80000048  }
0x31: {  	_ =	swait.ge [sflag:s29], $0x1  }
0x32: {  	[sflag:s29] =	ssyncadd.s32 $0xFFFFFFFF  }
0x33: {  	_ =	strace $0x90000048  }
0x34: {  	_ =	sfence  }
0x35: {  	s30 =	sld [smem:$0x0];
	_ =	sdelay $0x2  }
0x36: {  	s31 =	sshll.u32 s1, $0xD;
	s1 =	sshrl.u32 s1, $0x2  }
0x37: {  	s3 =	sand.u32 $0x4000, s31;
	s1 =	sadd.s32 s1, s30  }
0x38: {  	s0 =	sor.u32 s3, s0;
	s1 =	sshll.u32 s1, $0x11  }
0x39: {  	s0 =	sor.u32 s1, s0  }
0x3a: {  	s0 =	sadd.s32 $0x8F2B, s0  }
0x3b: {  	[sflag:s0] =	ssyncadd.remote.s32 $0x1  }
0x3c: {  	_ =	sfence.sel $0xFFFF  }
0x3d: {  	[dreg:$0x0] =	wrdreg $0xFFFFFFFF;
	(pc) =	sbr.abs _section_cstart, $3  }
0x3e: {  	[dreg:$0x1] =	wrdreg $0xFFFFFFFF  }
0x3f: {  	_ =	task.clear_ibuf [dreg:s7], $0x2FFFF;
	_ =	strace $0x9FFFFFFF  }
0x40: {  	(tm) =	ssettm $0x7FFFFFFF  }
0x41: {  	_ =	shalt  }
tec
execute0_lowered:
.L_overlay_start_1:
0x0: {  	(tag) =	ssettag $0x1  }
0x1: {  	s0 =	srdreg.scid;
	s9 =	rddreg [dreg:$0x0]  }
0x2: {  	s2 =	rddreg [dreg:$0x1];
	s7 =	simm.s32 $0x1;
	s1 =	sshll.u32 s0, $0x4  }
0x3: {  	s8 =	simm.s32 $0x2;
	s0 =	stileid.u32;
	s1 =	sand.u32 $0x10, s1  }
0x4: {  	s15 =	simm.s32 $0x0;
	s11 =	simm.s32 $0x40000;
	s1 =	sor.u32 s0, s1  }
0x5: {  	s16 =	simm.s32 $0x0;
	s12 =	simm.s32 $0x0;
	s3 =	sshll.u32 s1, $0x2  }
0x6: {  	s14 =	simm.s32 $0x0;
	s4 =	sadd.s32 $0x1001000, s9;
	s6 =	ssub.s32 $0x200, s3  }
0x7: {  	s1 =	rddreg [dreg:$0x2];
	_ =	strace $0x80000047;
	s5 =	sand.u32 $0x7C, s6  }
.Ltmp0:
0x8: {  	s13 =	smov.u32 s3;
	p0 =	sne.s32 s5, $0x0;
	(pc) =	sbr.rel .LBB1_1-.Ltmp0, $4  }
0x9: {  	s6 =	sshrl.u32 s6, $0x7;
	s5 =	simm.s32 $0x1;
	s7 =	simm.s32 @!p0 $0x0  }
0xa: {  	[sflag:s5] =	ssyncpa.u1 $0x0;
	p0 =	por $0x0, $0x0;
	s6 =	sadd.s32 s7, s6  }
0xb: {  	[sflag:s8] =	ssyncpa.u1 $0x0;
	s7 =	sadd.s32 $0x1003000, s9;
	s6 =	sshll.u32 s6, $0x2  }
0xc: {  	s8 =	sadd.s32 $0x1005000, s9;
	s9 =	sadd.s32 $0x1007000, s9;
	s10 =	sor.u32 $0x1, s6  }
.LBB1_7:
0xd: {  	s17 =	sadd.s32 $0x80, s12  }
0xe: {  	s15 =	sadd.s32 $0x80, s13;
	s19 =	smov.u32 s13;
	p2 =	sgt.s32 s17, $0x1FF  }
0xf: {  	s19 =	smov.u32 @p2 s15  }
0x10: {  	s17 =	simm.s32 @p2 $0x0;
	p2 =	sgt.s32 s19, $0x1FF  }
0x11: {  	s19 =	smov.u32 @p2 s3;
	p2 =	sne.s32 s14, s10  }
.Ltmp1:
0x12: {  	p1 =	slt.u32 s14, $0x2;
	(pc) =	sbr.rel @!p2 .LBB1_8-.Ltmp1, $4  }
0x13: {  	s18 =	simm.s32 @!p1 $0x2  }
0x14: {  	s16 =	smov.u32 s13;
	p0 =	por !p0, !p0;
	_ =	swait.ge @!p1 [sflag:s18], $0x4000  }
0x15: {  	s15 =	smov.u32 s12;
	[sflag:s18] =	ssyncset.done @!p1 $0x0;
	s12 =	smov.u32 s17  }
0x16: {  	s14 =	sadd.s32 $0x1, s14;
	[sflag:s18] =	ssyncadd.s32 @!p1 $0xFFFFC000;
	s13 =	smov.u32 s19  }
.LBB1_1:
0x17: {  	p1 =	sge.u32 s14, s6  }
0x18: {  	s17 =	sxor.u32 @!p1 $0xFFFFFFFF, s14;
	s18 =	sshll.u32 @!p1 s13, $0xD;
	s19 =	sshll.u32 @!p1 s12, $0x4  }
0x19: {  	s21 =	simm.s32 @!p1 $0x20;
	s17 =	sshll.u32 @!p1 s17, $0xE;
	s20 =	sadd.s32 @!p1 s4, s18  }
0x1a: {  	s22 =	simm.s32 @!p1 $0x80;
	s17 =	sand.u32 @!p1 $0x4000, s17;
	s20 =	sadd.s32 @!p1 s19, s20  }
0x1b: {  	[tilespmem:s17], [sflag:$0x1] =	stream.strided.gather @!p1 [hbm4b:s20+s21], $0x1000, s22, s21, $0x38;
	[tilespmem:$0x10100] =	vst v63  }
0x1c: {  	s20 =	sadd.s32 @!p1 s18, s7  }
0x1d: {  	s23 =	sor.u32 @!p1 $0x1000, s17;
	s20 =	sadd.s32 @!p1 s19, s20  }
0x1e: {  	[tilespmem:s23], [sflag:$0x1] =	stream.strided.gather @!p1 [hbm4b:s20+s21], $0x1000, s22, s21, $0x38;
	[tilespmem:$0x10100] =	vst v63  }
0x1f: {  	s20 =	sadd.s32 @!p1 s18, s8  }
0x20: {  	s23 =	sor.u32 @!p1 $0x2000, s17;
	s18 =	sadd.s32 @!p1 s18, s9;
	s20 =	sadd.s32 @!p1 s19, s20  }
0x21: {  	[tilespmem:s23], [sflag:$0x1] =	stream.strided.gather @!p1 [hbm4b:s20+s21], $0x1000, s22, s21, $0x38;
	[tilespmem:$0x10100] =	vst v63  }
0x22: {  	s31 =	sadd.s32 $0xFFFFFFFF, s14;
	s17 =	sor.u32 @!p1 $0x3000, s17;
	s18 =	sadd.s32 @!p1 s19, s18  }
0x23: {  	[tilespmem:s17], [sflag:$0x1] =	stream.strided.gather @!p1 [hbm4b:s18+s21], $0x1000, s22, s21, $0x38;
	[tilespmem:$0x10100] =	vst v63  }
0x24: {  	p1 =	sge.u32 s31, s6  }
.Ltmp2:
0x25: {  	_ = 	snop;
	(pc) =	sbr.rel @p1 .LBB1_7-.Ltmp2, $1  }
0x26: {  	_ =	sdelay $0x3  }
0x27: {  	s17 =	simm.s32 $0x1;
	s19 =	sand.u32 $0x1, s14  }
0x28: {  	_ =	swait.ge [sflag:s5], $0x4000;
	s17 =	simm.s32 @!p0 $0x0;
	s20 =	smul.u32 $0x10200, s19  }
0x29: {  	[sflag:s5] =	ssyncset.done $0x0;
	s18 =	smul.u32 $0x10200, s17  }
0x2a: {  	s17 =	sshll.u32 s17, $0xE;
	[sflag:s5] =	ssyncadd.s32 $0xFFFFC000  }
0x2b: {  	s19 =	sor.u32 $0x10, s17;
	s31 =	sshrl.u32 s20, $0x2;
	s18 =	sshrl.u32 s18, $0x2  }
0x2c: {  	s20 =	simm.s32 $0x0;
	s17 =	sor.u32 $0x8000, s31;
	s18 =	sor.u32 $0x8000, s18  }
.LBB1_3:
0x2d: {  	v1 =	vld [tilespmem:s19+$0x0]  }
0x2e: {  	v0 =	vld [tilespmem:s19+$0xFFFFFFF0];
	_ =	sdelay $0x2  }
0x2f: {  	s23 =	sadd.s32 $0x0, s18  }
0x30: {  	s21 =	simm.s32 $0x4;
	s22 =	sadd.s32 $0x20, s19;
	[tilespmem:s23+$0x2040 ss:$0x204] =	vst.msk $0xffff, v1  }
.LBB1_4:
0x31: {  	v1 =	vld [tilespmem:s22+$0x0];
	p1 =	sne.s32 s21, $0x1FC;
	[tilespmem:s23+$0x0 ss:$0x204] =	vst.msk $0xffff, v0;
	s23 =	smov.u32 s21;
	s21 =	sadd.s32 $0x4, s21  }
.Ltmp3:
0x32: {  	v0 =	vld [tilespmem:s22+$0xFFFFFFF0];
	(pc) =	sbr.rel @p1 .LBB1_4-.Ltmp3, $4  }
0x33: {  	_ = 	snop  }
0x34: {  	s23 =	sshra.s32 s23, $0x2  }
0x35: {  	s23 =	sadd.s32 s23, s18  }
0x36: {  	s22 =	sadd.s32 $0x20, s22;
	[tilespmem:s23+$0x2040 ss:$0x204] =	vst.msk $0xffff, v1  }
0x37: {  	s20 =	sadd.s32 $0x1, s20  }
0x38: {  	p1 =	sne.s32 s20, $0x4  }
.Ltmp4:
0x39: {  	_ = 	snop;
	(pc) =	sbr.rel @p1 .LBB1_3-.Ltmp4, $2  }
0x3a: {  	_ =	sdelay $0x2  }
0x3b: {  	[tilespmem:s23+$0x0 ss:$0x204] =	vst.msk $0xffff, v0;
	s18 =	sadd.s32 $0x81, s18;
	s19 =	sadd.s32 $0x1000, s19  }
0x3c: {  	s18 =	sshll.u32 s16, $0x9  }
0x3d: {  	s19 =	sshll.u32 s15, $0x3;
	s30 =	sshll.u32 s16, $0x7;
	s18 =	sand.u32 $0x3F000, s18  }
0x3e: {  	s20 =	sand.u32 $0x78, s15;
	s16 =	sand.u32 $0x380, s30;
	s18 =	sadd.s32 s18, s19  }
.Ltmp5:
0x3f: {  	s16 =	sor.u32 s16, s20;
	s18 =	sand.u32 $0x3FC00, s18;
	(pc) =	sbr.rel .LBB1_7-.Ltmp5, $4  }
0x40: {  	s31 =	sand.u32 $0x7, s15;
	s16 =	sor.u32 s18, s16  }
0x41: {  	s15 =	sshll.u32 s31, $0x12;
	s16 =	sshrl.u32 s16, $0x3  }
0x42: {  	s15 =	sor.u32 $0x200, s15;
	s16 =	sadd.s32 s2, s16  }
0x43: {  	[hbm4b:s16+s15] =	stream.strided.scatter [tilespmem:s17], [sflag:$0x2], $0x4000, s11, s15, $0x20;
	[tilespmem:$0x10100] =	vst v63  }
.LBB1_8:
0x44: {  	_ =	sfence.sel $0x180000  }
0x45: {  	s2 =	simm.s32 $0x1;
	[bflag:$0x0] =	sbarrier.arrive $0xFFFF  }
0x46: {  	s31 =	simm.s32 $0x2;
	[sflag:s2] =	ssyncpa.u1 $0x1  }
0x47: {  	[sflag:s31] =	ssyncpa.u1 $0x1  }
0x48: {  	p0 =	sne.s32 s0, $0x0;
	_ =	strace $0x90000047  }
0x49: {  	s0 =	sadd.s32 @!p0 $0x100000, s1;
	[bflag:$0x2] =	sbarrier.arrive $0xFFFF  }
0x4a: {  	[sflag:s0] =	ssyncadd.tile.s32 @!p0 $0x1;
	_ =	shalt  }
.Lfunc_end1:
_tile_overlayer_lowered:
.L_overlay_start_2:
0x4b: {  	(tag) =	ssettag $0x2  }
0x4c: {  	s0 =	rddreg [dreg:$0x0];
	s2 =	stileid.u32  }
0x4d: {  	s1 =	rddreg [dreg:$0x1];
	p0 =	sne.s32 s2, $0x0  }
0x4e: {  	s3 =	rddreg [dreg:$0x2];
	[bflag:$0x3] =	sbarrier.arrive $0xFFFF;
	s2 =	simm.s32 @!p0 $0x1C01  }
0x4f: {  	[timem:s3], [sflag:s2] =	dma.local @!p0 [hbm:s0], s1  }
0x50: {  	s0 =	simm.s32 @!p0 $0x1  }
0x51: {  	_ =	swait.ge @!p0 [sflag:s0], s1  }
0x52: {  	s1 =	ssub.s32 @!p0 $0x0, s1;
	[sflag:s0] =	ssyncset.done @!p0 $0x0  }
0x53: {  	[sflag:s0] =	ssyncadd.s32 @!p0 s1  }
0x54: {  	[bflag:$0x3] =	sbarrier.arrive $0xFFFF  }
0x55: {  	_ =	shalt  }

</sc_bundles>
